<compile_context>
chip_gen: v7x
topology: tpu7x:2x2x1
jax: 0.10.2.dev20260603
libtpu: 0.0.44.dev20260713+nightly
codegen_flags: <defaults>
</compile_context>

<pallas_src>
import functools

import jax
import jax.numpy as jnp
from jax import lax
from jax.experimental import pallas as pl
from jax.experimental.pallas import tpu as pltpu
from jax.experimental.pallas import tpu_sc as plsc

F_DIM = 64
COL_BLK = 8192
UBLK = 6144
RBLK = 5120


def _tc_body(nu, nb, ut_ref, rt_ref, ufl_ref, rfl_ref, wt_ref, b_ref,
             pu_ref, pr_ref, iu_ref, ir_ref):
    i = pl.program_id(0)
    wt = wt_ref[...]
    wd = wt[0, :] - wt[1, :]
    db = b_ref[0] - b_ref[1]

    @pl.when(i < nu)
    def _user():
        lhs = wd[:F_DIM].reshape(1, F_DIM)
        pu_ref[...] = (jnp.dot(lhs, ut_ref[...]) + db).reshape(UBLK)

    @pl.when(i == 0)
    def _url():
        lhs = wd[F_DIM:].reshape(1, F_DIM)
        pr_ref[...] = jnp.dot(lhs, rt_ref[...]).reshape(RBLK)

    @pl.when(i < nb)
    def _extract():
        iu_ref[...] = ufl_ref[0, :]
        ir_ref[...] = rfl_ref[0, :]


def _tc_stage(ut_t, rt_t, ufl_t, rfl_t, wt, b2, batch):
    v1, v2 = ut_t.shape[1], rt_t.shape[1]
    nfu, nfr = ufl_t.shape[0], rfl_t.shape[0]
    nu = (v1 + UBLK - 1) // UBLK
    assert v2 <= RBLK
    nb = batch // COL_BLK
    grid = max(nu, nb)
    return pl.pallas_call(
        functools.partial(_tc_body, nu, nb),
        grid=(grid,),
        in_specs=[
            pl.BlockSpec((F_DIM, UBLK), lambda i: (0, jnp.minimum(i, nu - 1))),
            pl.BlockSpec((F_DIM, RBLK), lambda i: (0, 0)),
            pl.BlockSpec((nfu, COL_BLK), lambda i: (0, jnp.minimum(i, nb - 1))),
            pl.BlockSpec((nfr, COL_BLK), lambda i: (0, jnp.minimum(i, nb - 1))),
            pl.BlockSpec((2, 2 * F_DIM), lambda i: (0, 0)),
            pl.BlockSpec(memory_space=pltpu.SMEM),
        ],
        out_specs=[
            pl.BlockSpec((UBLK,), lambda i: (jnp.minimum(i, nu - 1),)),
            pl.BlockSpec((RBLK,), lambda i: (0,)),
            pl.BlockSpec((COL_BLK,), lambda i: (jnp.minimum(i, nb - 1),)),
            pl.BlockSpec((COL_BLK,), lambda i: (jnp.minimum(i, nb - 1),)),
        ],
        out_shape=[
            jax.ShapeDtypeStruct((nu * UBLK, ), jnp.float32),
            jax.ShapeDtypeStruct((RBLK,), jnp.float32),
            jax.ShapeDtypeStruct((batch,), jnp.int32),
            jax.ShapeDtypeStruct((batch,), jnp.int32),
        ],
    )(ut_t, rt_t, ufl_t, rfl_t, wt, b2)


def _make_sc_gather(v1p, v2p, batch):
    nw = 32
    bpw = batch // nw
    mesh = plsc.VectorSubcoreMesh(core_axis_name="c", subcore_axis_name="s")

    @functools.partial(
        pl.kernel,
        mesh=mesh,
        compiler_params=pltpu.CompilerParams(needs_layout_passes=False),
        out_type=jax.ShapeDtypeStruct((2 * batch,), jnp.float32),
        scratch_types=[
            pltpu.VMEM((v1p,), jnp.float32),
            pltpu.VMEM((v2p,), jnp.float32),
            pltpu.VMEM((bpw,), jnp.int32),
            pltpu.VMEM((bpw,), jnp.int32),
            pltpu.VMEM((2 * bpw,), jnp.float32),
            pltpu.VMEM_SHARED((v1p,), jnp.float32),
            pltpu.VMEM_SHARED((v2p,), jnp.float32),
            pltpu.SemaphoreType.DMA,
        ],
    )
    def sc_gather(pu_hbm, pr_hbm, iu_hbm, ir_hbm, out_hbm,
                  pu_v, pr_v, iu_v, ir_v, out_v, pu_sh, pr_sh, sem):
        sid = lax.axis_index("s")
        wid = sid * 2 + lax.axis_index("c")
        base = wid * bpw
        c1 = v1p // 16
        ns2 = v2p // 256
        cps = [
            pltpu.make_async_copy(iu_hbm.at[pl.ds(base, bpw)], iu_v, sem),
            pltpu.make_async_copy(ir_hbm.at[pl.ds(base, bpw)], ir_v, sem),
            pltpu.make_async_copy(pu_hbm.at[pl.ds(sid * c1, c1)],
                                  pu_sh.at[pl.ds(sid * c1, c1)], sem),
            pltpu.make_async_copy(pr_hbm.at[pl.ds(sid * 256, 256)],
                                  pr_sh.at[pl.ds(sid * 256, 256)], sem),
        ]
        for cp in cps:
            cp.start()

        @pl.when(sid < ns2 - 16)
        def _extra_pr_slice():
            off = (16 + sid) * 256
            cp = pltpu.make_async_copy(pr_hbm.at[pl.ds(off, 256)],
                                       pr_sh.at[pl.ds(off, 256)], sem)
            cp.start()
            cp.wait()

        for cp in cps:
            cp.wait()
        plsc.subcore_barrier()
        cps = [
            pltpu.make_async_copy(pu_sh, pu_v, sem),
            pltpu.make_async_copy(pr_sh, pr_v, sem),
        ]
        for cp in cps:
            cp.start()
        for cp in cps:
            cp.wait()
        @plsc.parallel_loop(0, bpw // 16, unroll=8)
        def _chunk(i):
            idxu = iu_v[pl.ds(i * 16, 16)]
            idxr = ir_v[pl.ds(i * 16, 16)]
            u = plsc.load_gather(pu_v, [idxu])
            r = plsc.load_gather(pr_v, [idxr])
            d = u + r
            p0 = 1.0 / (1.0 + jnp.exp(-d))
            off = (i // 8) * 256 + (i % 8) * 16
            out_v[pl.ds(off, 16)] = p0
            out_v[pl.ds(off + 128, 16)] = 1.0 - p0

        pltpu.sync_copy(out_v, out_hbm.at[pl.ds(2 * base, 2 * bpw)])

    return sc_gather


def kernel(user_f_list, url_f_list, user_table, url_table, W, b):
    batch = user_f_list.shape[0]
    pu, pr, iu, ir = _tc_stage(user_table.T, url_table.T,
                               user_f_list.T, url_f_list.T, W.T, b, batch)
    sc = _make_sc_gather(pu.shape[0], pr.shape[0], batch)
    flat = sc(pu, pr, iu, ir)
    return flat.reshape(batch // 128, 2, 128).transpose(0, 2, 1).reshape(batch, 2)

# --- scband reference (transcript-rebuilt; emitter-appended) ---
"""Pipeline reference for scband-model6-pre-72267119722891 (READ-ONLY COPY).

The authoritative reference and input builder live on the scoring server;
editing this copy changes nothing except your own understanding.
"""

import jax, jax.numpy as jnp
import numpy as np

B = 16384
F_DIM = 64
USER_VOCAB = 11576 + 1
URL_VOCAB = 4732 + 1

def setup_inputs(seed: int = 0) -> dict:
    key = jax.random.key(seed)
    k1, k2, k3, k4, k5, k6 = jax.random.split(key, 6)
    user_f_list = jax.random.randint(k1, (B, 7), 0, USER_VOCAB, dtype=jnp.int64 if jax.config.jax_enable_x64 else jnp.int32).astype(jnp.int32)
    url_f_list = jax.random.randint(k2, (B, 5), 0, URL_VOCAB, dtype=jnp.int32)
    user_table = jax.random.normal(k3, (USER_VOCAB, F_DIM), dtype=jnp.float32) * 0.02
    url_table = jax.random.normal(k4, (URL_VOCAB, F_DIM), dtype=jnp.float32) * 0.02
    W = jax.random.normal(k5, (F_DIM * 2, 2), dtype=jnp.float32) * (1.0 / np.sqrt(F_DIM * 2))
    b = jnp.zeros((2,), dtype=jnp.float32)
    return {"user_f_list": user_f_list, "url_f_list": url_f_list,
            "user_table": user_table, "url_table": url_table, "W": W, "b": b}

def reference(user_f_list, url_f_list, user_table, url_table, W, b):
    # if_easy=True: only the first feature column is used for each side.
    user_idx = user_f_list[:, 0]
    url_idx = url_f_list[:, 0]
    # FeatureEmbed: embedding lookup per feature (single feature here), dropout is
    # identity at inference.
    user_embed = jnp.take(user_table, user_idx, axis=0)  # [B, F_DIM]
    url_embed = jnp.take(url_table, url_idx, axis=0)     # [B, F_DIM]
    out = jnp.concatenate([user_embed, url_embed], axis=1)  # [B, 2*F_DIM]
    out = out @ W + b                                        # [B, 2]
    out = jax.nn.softmax(out, axis=1)
    return out

if __name__ == "__main__":
    import jax
    _d = setup_inputs()
    print(jax.jit(kernel)(*tuple(_d.values())))

</pallas_src>

<mosaic_0001>
#map = affine_map<(d0, d1) -> (0)>
module attributes {stable_mosaic.version = 14 : i64} {
  func.func @sc_gather(%arg0: i32, %arg1: i32, %arg2: memref<12288xf32, #tpu.memory_space<hbm>>, %arg3: memref<5120xf32, #tpu.memory_space<hbm>>, %arg4: memref<16384xi32, #tpu.memory_space<hbm>>, %arg5: memref<16384xi32, #tpu.memory_space<hbm>>, %arg6: memref<32768xf32, #tpu.memory_space<hbm>>, %arg7: memref<12288xf32, #tpu.memory_space<vmem>>, %arg8: memref<5120xf32, #tpu.memory_space<vmem>>, %arg9: memref<512xi32, #tpu.memory_space<vmem>>, %arg10: memref<512xi32, #tpu.memory_space<vmem>>, %arg11: memref<1024xf32, #tpu.memory_space<vmem>>, %arg12: memref<12288xf32, #tpu.memory_space<vmem_shared>>, %arg13: memref<5120xf32, #tpu.memory_space<vmem_shared>>, %arg14: memref<!tpu.dma_semaphore, #tpu.memory_space<semaphore_mem>>) attributes {dimension_semantics = [#tpu.dimension_semantics<core_parallel>, #tpu.dimension_semantics<subcore_parallel>], iteration_bounds = array<i64: 2, 16>, scalar_prefetch = 0 : i64, scratch_operands = 8 : i64, tpu.core_type = #tpu.core_type<sc_vector_subcore>, window_params = [{transform_indices = #map}, {transform_indices = #map}, {transform_indices = #map}, {transform_indices = #map}, {transform_indices = #map}]} {
    %mul3A = arith.constant 2 : i32
    %mul3A_0 = arith.muli %arg1, %mul3A : i32
    %add3A = arith.addi %mul3A_0, %arg0 : i32
    %mul3A_1 = arith.constant 512 : i32
    %mul3A_2 = arith.muli %add3A, %mul3A_1 : i32
    %mul3A_3 = arith.constant 768 : i32
    %mul3A_4 = arith.muli %arg1, %mul3A_3 : i32
    %mul3A_5 = arith.constant 768 : i32
    %mul3A_6 = arith.muli %arg1, %mul3A_5 : i32
    %mul3A_7 = arith.constant 256 : i32
    %mul3A_8 = arith.muli %arg1, %mul3A_7 : i32
    %mul3A_9 = arith.constant 256 : i32
    %mul3A_10 = arith.muli %arg1, %mul3A_9 : i32
    %dma_start3A = tpu.memref_slice %arg4[%mul3A_2] : memref<16384xi32, #tpu.memory_space<hbm>> -> memref<512xi32, #tpu.memory_space<hbm>>
    %dma_start3A_11 = tpu.memref_slice %arg4[%mul3A_2] : memref<16384xi32, #tpu.memory_space<hbm>> -> memref<512xi32, #tpu.memory_space<hbm>>
    tpu.enqueue_dma source(%dma_start3A_11 : memref<512xi32, #tpu.memory_space<hbm>>) target(%arg9 : memref<512xi32, #tpu.memory_space<vmem>>) target_semaphore(%arg14 : memref<!tpu.dma_semaphore, #tpu.memory_space<semaphore_mem>>)
    %dma_start3A_12 = tpu.memref_slice %arg5[%mul3A_2] : memref<16384xi32, #tpu.memory_space<hbm>> -> memref<512xi32, #tpu.memory_space<hbm>>
    %dma_start3A_13 = tpu.memref_slice %arg5[%mul3A_2] : memref<16384xi32, #tpu.memory_space<hbm>> -> memref<512xi32, #tpu.memory_space<hbm>>
    tpu.enqueue_dma source(%dma_start3A_13 : memref<512xi32, #tpu.memory_space<hbm>>) target(%arg10 : memref<512xi32, #tpu.memory_space<vmem>>) target_semaphore(%arg14 : memref<!tpu.dma_semaphore, #tpu.memory_space<semaphore_mem>>)
    %dma_start3A_14 = tpu.memref_slice %arg12[%mul3A_6] : memref<12288xf32, #tpu.memory_space<vmem_shared>> -> memref<768xf32, #tpu.memory_space<vmem_shared>>
    %dma_start3A_15 = tpu.memref_slice %arg2[%mul3A_4] : memref<12288xf32, #tpu.memory_space<hbm>> -> memref<768xf32, #tpu.memory_space<hbm>>
    tpu.enqueue_dma source(%dma_start3A_15 : memref<768xf32, #tpu.memory_space<hbm>>) target(%dma_start3A_14 : memref<768xf32, #tpu.memory_space<vmem_shared>>) target_semaphore(%arg14 : memref<!tpu.dma_semaphore, #tpu.memory_space<semaphore_mem>>)
    %dma_start3A_16 = tpu.memref_slice %arg13[%mul3A_10] : memref<5120xf32, #tpu.memory_space<vmem_shared>> -> memref<256xf32, #tpu.memory_space<vmem_shared>>
    %dma_start3A_17 = tpu.memref_slice %arg3[%mul3A_8] : memref<5120xf32, #tpu.memory_space<hbm>> -> memref<256xf32, #tpu.memory_space<hbm>>
    tpu.enqueue_dma source(%dma_start3A_17 : memref<256xf32, #tpu.memory_space<hbm>>) target(%dma_start3A_16 : memref<256xf32, #tpu.memory_space<vmem_shared>>) target_semaphore(%arg14 : memref<!tpu.dma_semaphore, #tpu.memory_space<semaphore_mem>>)
    %lt3A = arith.constant 4 : i32
    %lt3A_18 = arith.cmpi slt, %arg1, %lt3A : i32
    %convert_element_type3A = arith.extui %lt3A_18 : i1 to i32
    %cond3A = arith.constant 0 : i32
    %cond3A_19 = arith.cmpi ne, %convert_element_type3A, %cond3A : i32
    scf.if %cond3A_19 {
      %add3A_31 = arith.constant 16 : i32
      %add3A_32 = arith.addi %add3A_31, %arg1 : i32
      %mul3A_33 = arith.constant 256 : i32
      %mul3A_34 = arith.muli %add3A_32, %mul3A_33 : i32
      %dma_start3A_35 = tpu.memref_slice %arg13[%mul3A_34] : memref<5120xf32, #tpu.memory_space<vmem_shared>> -> memref<256xf32, #tpu.memory_space<vmem_shared>>
      %dma_start3A_36 = tpu.memref_slice %arg3[%mul3A_34] : memref<5120xf32, #tpu.memory_space<hbm>> -> memref<256xf32, #tpu.memory_space<hbm>>
      tpu.enqueue_dma source(%dma_start3A_36 : memref<256xf32, #tpu.memory_space<hbm>>) target(%dma_start3A_35 : memref<256xf32, #tpu.memory_space<vmem_shared>>) target_semaphore(%arg14 : memref<!tpu.dma_semaphore, #tpu.memory_space<semaphore_mem>>)
      %dma_wait3A_37 = tpu.memref_slice %arg13[%mul3A_34] : memref<5120xf32, #tpu.memory_space<vmem_shared>> -> memref<256xf32, #tpu.memory_space<vmem_shared>>
      %dma_wait3A_38 = tpu.memref_slice %arg3[%mul3A_34] : memref<5120xf32, #tpu.memory_space<hbm>> -> memref<256xf32, #tpu.memory_space<hbm>>
      tpu.wait_dma2 semaphore(%arg14 : memref<!tpu.dma_semaphore, #tpu.memory_space<semaphore_mem>>) src(%dma_wait3A_38 : memref<256xf32, #tpu.memory_space<hbm>>) dst(%dma_wait3A_37 : memref<256xf32, #tpu.memory_space<vmem_shared>>)
    } else {
    }
    %dma_wait3A = tpu.memref_slice %arg4[%mul3A_2] : memref<16384xi32, #tpu.memory_space<hbm>> -> memref<512xi32, #tpu.memory_space<hbm>>
    %dma_wait3A_20 = tpu.memref_slice %arg4[%mul3A_2] : memref<16384xi32, #tpu.memory_space<hbm>> -> memref<512xi32, #tpu.memory_space<hbm>>
    tpu.wait_dma2 semaphore(%arg14 : memref<!tpu.dma_semaphore, #tpu.memory_space<semaphore_mem>>) src(%dma_wait3A_20 : memref<512xi32, #tpu.memory_space<hbm>>) dst(%arg9 : memref<512xi32, #tpu.memory_space<vmem>>)
    %dma_wait3A_21 = tpu.memref_slice %arg5[%mul3A_2] : memref<16384xi32, #tpu.memory_space<hbm>> -> memref<512xi32, #tpu.memory_space<hbm>>
    %dma_wait3A_22 = tpu.memref_slice %arg5[%mul3A_2] : memref<16384xi32, #tpu.memory_space<hbm>> -> memref<512xi32, #tpu.memory_space<hbm>>
    tpu.wait_dma2 semaphore(%arg14 : memref<!tpu.dma_semaphore, #tpu.memory_space<semaphore_mem>>) src(%dma_wait3A_22 : memref<512xi32, #tpu.memory_space<hbm>>) dst(%arg10 : memref<512xi32, #tpu.memory_space<vmem>>)
    %dma_wait3A_23 = tpu.memref_slice %arg12[%mul3A_6] : memref<12288xf32, #tpu.memory_space<vmem_shared>> -> memref<768xf32, #tpu.memory_space<vmem_shared>>
    %dma_wait3A_24 = tpu.memref_slice %arg2[%mul3A_4] : memref<12288xf32, #tpu.memory_space<hbm>> -> memref<768xf32, #tpu.memory_space<hbm>>
    tpu.wait_dma2 semaphore(%arg14 : memref<!tpu.dma_semaphore, #tpu.memory_space<semaphore_mem>>) src(%dma_wait3A_24 : memref<768xf32, #tpu.memory_space<hbm>>) dst(%dma_wait3A_23 : memref<768xf32, #tpu.memory_space<vmem_shared>>)
    %dma_wait3A_25 = tpu.memref_slice %arg13[%mul3A_10] : memref<5120xf32, #tpu.memory_space<vmem_shared>> -> memref<256xf32, #tpu.memory_space<vmem_shared>>
    %dma_wait3A_26 = tpu.memref_slice %arg3[%mul3A_8] : memref<5120xf32, #tpu.memory_space<hbm>> -> memref<256xf32, #tpu.memory_space<hbm>>
    tpu.wait_dma2 semaphore(%arg14 : memref<!tpu.dma_semaphore, #tpu.memory_space<semaphore_mem>>) src(%dma_wait3A_26 : memref<256xf32, #tpu.memory_space<hbm>>) dst(%dma_wait3A_25 : memref<256xf32, #tpu.memory_space<vmem_shared>>)
    %barrier3A = arith.constant 0 : index
    tpu.barrier barrier_id(%barrier3A)
    tpu.enqueue_dma source(%arg12 : memref<12288xf32, #tpu.memory_space<vmem_shared>>) target(%arg7 : memref<12288xf32, #tpu.memory_space<vmem>>) target_semaphore(%arg14 : memref<!tpu.dma_semaphore, #tpu.memory_space<semaphore_mem>>)
    tpu.enqueue_dma source(%arg13 : memref<5120xf32, #tpu.memory_space<vmem_shared>>) target(%arg8 : memref<5120xf32, #tpu.memory_space<vmem>>) target_semaphore(%arg14 : memref<!tpu.dma_semaphore, #tpu.memory_space<semaphore_mem>>)
    tpu.wait_dma2 semaphore(%arg14 : memref<!tpu.dma_semaphore, #tpu.memory_space<semaphore_mem>>) src(%arg12 : memref<12288xf32, #tpu.memory_space<vmem_shared>>) dst(%arg7 : memref<12288xf32, #tpu.memory_space<vmem>>)
    tpu.wait_dma2 semaphore(%arg14 : memref<!tpu.dma_semaphore, #tpu.memory_space<semaphore_mem>>) src(%arg13 : memref<5120xf32, #tpu.memory_space<vmem_shared>>) dst(%arg8 : memref<5120xf32, #tpu.memory_space<vmem>>)
    %parallel_loop3A = arith.constant 0 : i32
    %parallel_loop3A_27 = arith.constant 32 : i32
    %parallel_loop3A_28 = arith.constant 1 : i32
    scf.for %parallel_loop3A_31 = %parallel_loop3A to %parallel_loop3A_27 step %parallel_loop3A_28  : i32 {
      %parallel_loop3A_32 = arith.constant 16 : i32
      %parallel_loop3A_33 = arith.muli %parallel_loop3A_31, %parallel_loop3A_32 : i32
      %parallel_loop3A_34 = arith.index_cast %parallel_loop3A_33 : i32 to index
      %parallel_loop3A_35 = tpu.vector_load %arg9[%parallel_loop3A_34] {strides = array<i32>} : memref<512xi32, #tpu.memory_space<vmem>>, vector<16xi32>,
      %parallel_loop3A_36 = arith.constant 16 : i32
      %parallel_loop3A_37 = arith.muli %parallel_loop3A_31, %parallel_loop3A_36 : i32
      %parallel_loop3A_38 = arith.index_cast %parallel_loop3A_37 : i32 to index
      %parallel_loop3A_39 = tpu.vector_load %arg10[%parallel_loop3A_38] {strides = array<i32>} : memref<512xi32, #tpu.memory_space<vmem>>, vector<16xi32>,
      %parallel_loop3A_40 = tpu.vector_load_idx %arg7[%parallel_loop3A_35] : memref<12288xf32, #tpu.memory_space<vmem>>[vector<16xi32>], vector<16xf32>,
      %parallel_loop3A_41 = tpu.vector_load_idx %arg8[%parallel_loop3A_39] : memref<5120xf32, #tpu.memory_space<vmem>>[vector<16xi32>], vector<16xf32>,
      %parallel_loop3A_42 = arith.addf %parallel_loop3A_40, %parallel_loop3A_41 : vector<16xf32>
      %parallel_loop3A_43 = arith.constant 0.000000e+00 : f32
      %parallel_loop3A_44 = vector.broadcast %parallel_loop3A_43 : f32 to vector<16xf32>
      %parallel_loop3A_45 = arith.subf %parallel_loop3A_44, %parallel_loop3A_42 : vector<16xf32>
      %parallel_loop3A_46 = math.exp %parallel_loop3A_45 : vector<16xf32>
      %parallel_loop3A_47 = arith.constant 1.000000e+00 : f32
      %parallel_loop3A_48 = vector.broadcast %parallel_loop3A_47 : f32 to vector<16xf32>
      %parallel_loop3A_49 = arith.addf %parallel_loop3A_48, %parallel_loop3A_46 : vector<16xf32>
      %parallel_loop3A_50 = arith.constant 1.000000e+00 : f32
      %parallel_loop3A_51 = vector.broadcast %parallel_loop3A_50 : f32 to vector<16xf32>
      %parallel_loop3A_52 = arith.divf %parallel_loop3A_51, %parallel_loop3A_49 : vector<16xf32>
      %parallel_loop3A_53 = arith.constant 8 : i32
      %parallel_loop3A_54 = arith.divsi %parallel_loop3A_31, %parallel_loop3A_53 : i32
      %parallel_loop3A_55 = arith.constant 0 : i32
      %parallel_loop3A_56 = arith.cmpi sgt, %parallel_loop3A_31, %parallel_loop3A_55 : i32
      %parallel_loop3A_57 = arith.extui %parallel_loop3A_56 : i1 to i32
      %parallel_loop3A_58 = arith.constant 0 : i32
      %parallel_loop3A_59 = arith.cmpi slt, %parallel_loop3A_31, %parallel_loop3A_58 : i32
      %parallel_loop3A_60 = arith.extui %parallel_loop3A_59 : i1 to i32
      %parallel_loop3A_61 = arith.subi %parallel_loop3A_57, %parallel_loop3A_60 : i32
      %parallel_loop3A_62 = arith.constant 0 : i32
      %parallel_loop3A_63 = arith.cmpi sgt, %parallel_loop3A_53, %parallel_loop3A_62 : i32
      %parallel_loop3A_64 = arith.extui %parallel_loop3A_63 : i1 to i32
      %parallel_loop3A_65 = arith.constant 0 : i32
      %parallel_loop3A_66 = arith.cmpi slt, %parallel_loop3A_53, %parallel_loop3A_65 : i32
      %parallel_loop3A_67 = arith.extui %parallel_loop3A_66 : i1 to i32
      %parallel_loop3A_68 = arith.subi %parallel_loop3A_64, %parallel_loop3A_67 : i32
      %parallel_loop3A_69 = arith.cmpi ne, %parallel_loop3A_61, %parallel_loop3A_68 : i32
      %parallel_loop3A_70 = arith.remsi %parallel_loop3A_31, %parallel_loop3A_53 : i32
      %parallel_loop3A_71 = arith.constant 0 : i32
      %parallel_loop3A_72 = arith.cmpi ne, %parallel_loop3A_70, %parallel_loop3A_71 : i32
      %parallel_loop3A_73 = arith.andi %parallel_loop3A_69, %parallel_loop3A_72 : i1
      %parallel_loop3A_74 = arith.constant 1 : i32
      %parallel_loop3A_75 = arith.subi %parallel_loop3A_54, %parallel_loop3A_74 : i32
      %parallel_loop3A_76 = arith.select %parallel_loop3A_73, %parallel_loop3A_75, %parallel_loop3A_54 : i32
      %parallel_loop3A_77 = arith.constant 256 : i32
      %parallel_loop3A_78 = arith.muli %parallel_loop3A_76, %parallel_loop3A_77 : i32
      %parallel_loop3A_79 = arith.constant 8 : i32
      %parallel_loop3A_80 = arith.constant 0 : i32
      %parallel_loop3A_81 = arith.cmpi eq, %parallel_loop3A_79, %parallel_loop3A_80 : i32
      %parallel_loop3A_82 = arith.constant 1 : i32
      %parallel_loop3A_83 = arith.select %parallel_loop3A_81, %parallel_loop3A_82, %parallel_loop3A_79 : i32
      %parallel_loop3A_84 = arith.remsi %parallel_loop3A_31, %parallel_loop3A_83 : i32
      %parallel_loop3A_85 = arith.constant 0 : i32
      %parallel_loop3A_86 = arith.cmpi ne, %parallel_loop3A_84, %parallel_loop3A_85 : i32
      %parallel_loop3A_87 = arith.constant 0 : i32
      %parallel_loop3A_88 = arith.cmpi slt, %parallel_loop3A_84, %parallel_loop3A_87 : i32
      %parallel_loop3A_89 = arith.constant 0 : i32
      %parallel_loop3A_90 = arith.cmpi slt, %parallel_loop3A_83, %parallel_loop3A_89 : i32
      %parallel_loop3A_91 = arith.xori %parallel_loop3A_88, %parallel_loop3A_90 : i1
      %parallel_loop3A_92 = arith.andi %parallel_loop3A_91, %parallel_loop3A_86 : i1
      %parallel_loop3A_93 = arith.addi %parallel_loop3A_84, %parallel_loop3A_83 : i32
      %parallel_loop3A_94 = arith.select %parallel_loop3A_92, %parallel_loop3A_93, %parallel_loop3A_84 : i32
      %parallel_loop3A_95 = arith.constant 16 : i32
      %parallel_loop3A_96 = arith.muli %parallel_loop3A_94, %parallel_loop3A_95 : i32
      %parallel_loop3A_97 = arith.addi %parallel_loop3A_78, %parallel_loop3A_96 : i32
      %parallel_loop3A_98 = arith.index_cast %parallel_loop3A_97 : i32 to index
      %parallel_loop3A_99 = tpu.vector_load %arg11[%parallel_loop3A_98] {strides = array<i32>} : memref<1024xf32, #tpu.memory_space<vmem>>, vector<16xf32>,
      tpu.vector_store %arg11[%parallel_loop3A_98], %parallel_loop3A_52 {strides = array<i32>} : memref<1024xf32, #tpu.memory_space<vmem>>, vector<16xf32>,
      %parallel_loop3A_100 = arith.constant 1.000000e+00 : f32
      %parallel_loop3A_101 = vector.broadcast %parallel_loop3A_100 : f32 to vector<16xf32>
      %parallel_loop3A_102 = arith.subf %parallel_loop3A_101, %parallel_loop3A_52 : vector<16xf32>
      %parallel_loop3A_103 = arith.constant 128 : i32
      %parallel_loop3A_104 = arith.addi %parallel_loop3A_97, %parallel_loop3A_103 : i32
      %parallel_loop3A_105 = arith.index_cast %parallel_loop3A_104 : i32 to index
      %parallel_loop3A_106 = tpu.vector_load %arg11[%parallel_loop3A_105] {strides = array<i32>} : memref<1024xf32, #tpu.memory_space<vmem>>, vector<16xf32>,
      tpu.vector_store %arg11[%parallel_loop3A_105], %parallel_loop3A_102 {strides = array<i32>} : memref<1024xf32, #tpu.memory_space<vmem>>, vector<16xf32>,
    } {sc.loop_unroll_factor = 8 : i64, sc.parallel_access}
    %mul3A_29 = arith.constant 2 : i32
    %mul3A_30 = arith.muli %mul3A_29, %mul3A_2 : i32
    "tpu.region"() ({
      %run_scoped3A = tpu.sem_alloc : memref<!tpu.dma_semaphore, #tpu.memory_space<semaphore_mem>>
      %dma_start3A_31 = tpu.memref_slice %arg6[%mul3A_30] : memref<32768xf32, #tpu.memory_space<hbm>> -> memref<1024xf32, #tpu.memory_space<hbm>>
      %dma_start3A_32 = tpu.memref_slice %arg6[%mul3A_30] : memref<32768xf32, #tpu.memory_space<hbm>> -> memref<1024xf32, #tpu.memory_space<hbm>>
      tpu.enqueue_dma source(%arg11 : memref<1024xf32, #tpu.memory_space<vmem>>) target(%dma_start3A_32 : memref<1024xf32, #tpu.memory_space<hbm>>) target_semaphore(%run_scoped3A : memref<!tpu.dma_semaphore, #tpu.memory_space<semaphore_mem>>)
      %dma_wait3A_33 = tpu.memref_slice %arg6[%mul3A_30] : memref<32768xf32, #tpu.memory_space<hbm>> -> memref<1024xf32, #tpu.memory_space<hbm>>
      %dma_wait3A_34 = tpu.memref_slice %arg6[%mul3A_30] : memref<32768xf32, #tpu.memory_space<hbm>> -> memref<1024xf32, #tpu.memory_space<hbm>>
      tpu.wait_dma2 semaphore(%run_scoped3A : memref<!tpu.dma_semaphore, #tpu.memory_space<semaphore_mem>>) src(%arg11 : memref<1024xf32, #tpu.memory_space<vmem>>) dst(%dma_wait3A_34 : memref<1024xf32, #tpu.memory_space<hbm>>)
      tpu.yield
    }) : () -> ()
    return
  }
}

module attributes {stable_mosaic.version = 14 : i64} {
  func.func @_tc_body(%arg0: i32, %arg1: memref<64x6144xf32, #tpu.memory_space<vmem>>, %arg2: memref<64x5120xf32, #tpu.memory_space<vmem>>, %arg3: memref<7x8192xi32, #tpu.memory_space<vmem>>, %arg4: memref<5x8192xi32, #tpu.memory_space<vmem>>, %arg5: memref<2x128xf32, #tpu.memory_space<vmem>>, %arg6: memref<2xf32, #tpu.memory_space<smem>>, %arg7: memref<6144xf32, #tpu.memory_space<vmem>>, %arg8: memref<5120xf32, #tpu.memory_space<vmem>>, %arg9: memref<8192xi32, #tpu.memory_space<vmem>>, %arg10: memref<8192xi32, #tpu.memory_space<vmem>>) attributes {dimension_semantics = [#tpu.dimension_semantics<arbitrary>], iteration_bounds = array<i64: 2>, scalar_prefetch = 0 : i64, scratch_operands = 0 : i64, tpu.core_type = #tpu.core_type<tc>, window_params = [{transform_indices = @transform_0, window_bounds = array<i64: 64, 6144>}, {transform_indices = @transform_1, window_bounds = array<i64: 64, 5120>}, {transform_indices = @transform_2, window_bounds = array<i64: 7, 8192>}, {transform_indices = @transform_3, window_bounds = array<i64: 5, 8192>}, {pipeline_mode = #tpu.pipeline_mode<synchronous>, transform_indices = @transform_4, window_bounds = array<i64: 2, 128>}, {transform_indices = @transform_5, window_bounds = array<i64: 2>}, {transform_indices = @transform_6, window_bounds = array<i64: 6144>}, {pipeline_mode = #tpu.pipeline_mode<synchronous>, transform_indices = @transform_7, window_bounds = array<i64: 5120>}, {transform_indices = @transform_8, window_bounds = array<i64: 8192>}, {transform_indices = @transform_9, window_bounds = array<i64: 8192>}]} {
    %get3A = arith.constant 0 : index
    %get3A_0 = arith.constant 0 : index
    %get3A_1 = vector.load %arg5[%get3A, %get3A_0] : memref<2x128xf32, #tpu.memory_space<vmem>>, vector<2x128xf32>
    %slice3A = vector.extract_strided_slice %get3A_1 {offsets = [0, 0], sizes = [1, 128], strides = [1, 1]} : vector<2x128xf32> to vector<1x128xf32>
    %squeeze3A = vector.shape_cast %slice3A : vector<1x128xf32> to vector<128xf32>
    %slice3A_2 = vector.extract_strided_slice %get3A_1 {offsets = [1, 0], sizes = [1, 128], strides = [1, 1]} : vector<2x128xf32> to vector<1x128xf32>
    %squeeze3A_3 = vector.shape_cast %slice3A_2 : vector<1x128xf32> to vector<128xf32>
    %sub3A = arith.subf %squeeze3A, %squeeze3A_3 : vector<128xf32>
    %get3A_4 = arith.constant 0 : index
    %get3A_5 = memref.load %arg6[%get3A_4] : memref<2xf32, #tpu.memory_space<smem>>
    %get3A_6 = arith.constant 1 : index
    %get3A_7 = memref.load %arg6[%get3A_6] : memref<2xf32, #tpu.memory_space<smem>>
    %sub3A_8 = arith.subf %get3A_5, %get3A_7 : f32
    %lt3A = arith.constant 2 : i32
    %lt3A_9 = arith.cmpi slt, %arg0, %lt3A : i32
    %convert_element_type3A = arith.extui %lt3A_9 : i1 to i32
    %cond3A = arith.constant 0 : i32
    %cond3A_10 = arith.cmpi ne, %convert_element_type3A, %cond3A : i32
    scf.if %cond3A_10 {
      %slice3A_20 = vector.extract_strided_slice %sub3A {offsets = [0], sizes = [64], strides = [1]} : vector<128xf32> to vector<64xf32>
      %reshape3A = vector.shape_cast %slice3A_20 : vector<64xf32> to vector<1x64xf32>
      %get3A_21 = arith.constant 0 : index
      %get3A_22 = arith.constant 0 : index
      %get3A_23 = vector.load %arg1[%get3A_21, %get3A_22] : memref<64x6144xf32, #tpu.memory_space<vmem>>, vector<64x6144xf32>
      %dot_general3A = arith.constant dense<0.000000e+00> : vector<1x6144xf32>
      %dot_general3A_24 = tpu.matmul %reshape3A, %get3A_23, %dot_general3A {dimension_numbers = #tpu.dot_dimension_numbers<[1], [0], [0], [1], [0, 0, 1, 1], [], []>, transpose_lhs_hint = false} : vector<1x64xf32>, vector<64x6144xf32>, vector<1x6144xf32> -> vector<1x6144xf32>
      %add3A = vector.broadcast %sub3A_8 : f32 to vector<1x6144xf32>
      %add3A_25 = arith.addf %dot_general3A_24, %add3A : vector<1x6144xf32>
      %reshape3A_26 = vector.shape_cast %add3A_25 : vector<1x6144xf32> to vector<6144xf32>
      %swap3A = arith.constant 0 : index
      %swap3A_27 = vector.load %arg7[%swap3A] : memref<6144xf32, #tpu.memory_space<vmem>>, vector<6144xf32>
      tpu.vector_store %arg7[%swap3A], %reshape3A_26 {strides = array<i32>} : memref<6144xf32, #tpu.memory_space<vmem>>, vector<6144xf32>,
    } else {
    }
    %eq3A = arith.constant 0 : i32
    %eq3A_11 = arith.cmpi eq, %arg0, %eq3A : i32
    %convert_element_type3A_12 = arith.extui %eq3A_11 : i1 to i32
    %cond3A_13 = arith.constant 0 : i32
    %cond3A_14 = arith.cmpi ne, %convert_element_type3A_12, %cond3A_13 : i32
    scf.if %cond3A_14 {
      %slice3A_20 = vector.extract_strided_slice %sub3A {offsets = [64], sizes = [64], strides = [1]} : vector<128xf32> to vector<64xf32>
      %reshape3A = vector.shape_cast %slice3A_20 : vector<64xf32> to vector<1x64xf32>
      %get3A_21 = arith.constant 0 : index
      %get3A_22 = arith.constant 0 : index
      %get3A_23 = vector.load %arg2[%get3A_21, %get3A_22] : memref<64x5120xf32, #tpu.memory_space<vmem>>, vector<64x5120xf32>
      %dot_general3A = arith.constant dense<0.000000e+00> : vector<1x5120xf32>
      %dot_general3A_24 = tpu.matmul %reshape3A, %get3A_23, %dot_general3A {dimension_numbers = #tpu.dot_dimension_numbers<[1], [0], [0], [1], [0, 0, 1, 1], [], []>, transpose_lhs_hint = false} : vector<1x64xf32>, vector<64x5120xf32>, vector<1x5120xf32> -> vector<1x5120xf32>
      %reshape3A_25 = vector.shape_cast %dot_general3A_24 : vector<1x5120xf32> to vector<5120xf32>
      %swap3A = arith.constant 0 : index
      %swap3A_26 = vector.load %arg8[%swap3A] : memref<5120xf32, #tpu.memory_space<vmem>>, vector<5120xf32>
      tpu.vector_store %arg8[%swap3A], %reshape3A_25 {strides = array<i32>} : memref<5120xf32, #tpu.memory_space<vmem>>, vector<5120xf32>,
    } else {
    }
    %lt3A_15 = arith.constant 2 : i32
    %lt3A_16 = arith.cmpi slt, %arg0, %lt3A_15 : i32
    %convert_element_type3A_17 = arith.extui %lt3A_16 : i1 to i32
    %cond3A_18 = arith.constant 0 : i32
    %cond3A_19 = arith.cmpi ne, %convert_element_type3A_17, %cond3A_18 : i32
    scf.if %cond3A_19 {
      %get3A_20 = arith.constant 0 : index
      %get3A_21 = arith.constant 0 : index
      %get3A_22 = vector.load %arg3[%get3A_20, %get3A_21] : memref<7x8192xi32, #tpu.memory_space<vmem>>, vector<1x8192xi32>
      %get3A_23 = vector.shape_cast %get3A_22 : vector<1x8192xi32> to vector<8192xi32>
      %swap3A = arith.constant 0 : index
      %swap3A_24 = vector.load %arg9[%swap3A] : memref<8192xi32, #tpu.memory_space<vmem>>, vector<8192xi32>
      tpu.vector_store %arg9[%swap3A], %get3A_23 {strides = array<i32>} : memref<8192xi32, #tpu.memory_space<vmem>>, vector<8192xi32>,
      %get3A_25 = arith.constant 0 : index
      %get3A_26 = arith.constant 0 : index
      %get3A_27 = vector.load %arg4[%get3A_25, %get3A_26] : memref<5x8192xi32, #tpu.memory_space<vmem>>, vector<1x8192xi32>
      %get3A_28 = vector.shape_cast %get3A_27 : vector<1x8192xi32> to vector<8192xi32>
      %swap3A_29 = arith.constant 0 : index
      %swap3A_30 = vector.load %arg10[%swap3A_29] : memref<8192xi32, #tpu.memory_space<vmem>>, vector<8192xi32>
      tpu.vector_store %arg10[%swap3A_29], %get3A_28 {strides = array<i32>} : memref<8192xi32, #tpu.memory_space<vmem>>, vector<8192xi32>,
    } else {
    }
    return
  }
  func.func @transform_0(%arg0: i32) -> (i32, i32) {
    %min3A = arith.constant 1 : i32
    %min3A_0 = arith.minsi %arg0, %min3A : i32
    %c0_i32 = arith.constant 0 : i32
    %c0_i32_1 = arith.constant 0 : i32
    return %c0_i32, %min3A_0 : i32, i32
  }
  func.func @transform_1(%arg0: i32) -> (i32, i32) {
    %c0_i32 = arith.constant 0 : i32
    %c0_i32_0 = arith.constant 0 : i32
    %c0_i32_1 = arith.constant 0 : i32
    return %c0_i32, %c0_i32_0 : i32, i32
  }
  func.func @transform_2(%arg0: i32) -> (i32, i32) {
    %min3A = arith.constant 1 : i32
    %min3A_0 = arith.minsi %arg0, %min3A : i32
    %c0_i32 = arith.constant 0 : i32
    %c0_i32_1 = arith.constant 0 : i32
    return %c0_i32, %min3A_0 : i32, i32
  }
  func.func @transform_3(%arg0: i32) -> (i32, i32) {
    %min3A = arith.constant 1 : i32
    %min3A_0 = arith.minsi %arg0, %min3A : i32
    %c0_i32 = arith.constant 0 : i32
    %c0_i32_1 = arith.constant 0 : i32
    return %c0_i32, %min3A_0 : i32, i32
  }
  func.func @transform_4(%arg0: i32) -> (i32, i32) {
    %c0_i32 = arith.constant 0 : i32
    %c0_i32_0 = arith.constant 0 : i32
    %c0_i32_1 = arith.constant 0 : i32
    return %c0_i32, %c0_i32_0 : i32, i32
  }
  func.func @transform_5(%arg0: i32) -> i32 {
    %c0_i32 = arith.constant 0 : i32
    %c0_i32_0 = arith.constant 0 : i32
    return %c0_i32 : i32
  }
  func.func @transform_6(%arg0: i32) -> i32 {
    %min3A = arith.constant 1 : i32
    %min3A_0 = arith.minsi %arg0, %min3A : i32
    %c0_i32 = arith.constant 0 : i32
    return %min3A_0 : i32
  }
  func.func @transform_7(%arg0: i32) -> i32 {
    %c0_i32 = arith.constant 0 : i32
    %c0_i32_0 = arith.constant 0 : i32
    return %c0_i32 : i32
  }
  func.func @transform_8(%arg0: i32) -> i32 {
    %min3A = arith.constant 1 : i32
    %min3A_0 = arith.minsi %arg0, %min3A : i32
    %c0_i32 = arith.constant 0 : i32
    return %min3A_0 : i32
  }
  func.func @transform_9(%arg0: i32) -> i32 {
    %min3A = arith.constant 1 : i32
    %min3A_0 = arith.minsi %arg0, %min3A : i32
    %c0_i32 = arith.constant 0 : i32
    return %min3A_0 : i32
  }
}

</mosaic_0001>

<sc_bundles>
// kernel: kernel.4.cloned.1.call-start
scs
__scs_entry_jumppad:
0x0: {  	(pc) =	sbr.rel $0x88, $3  }
0x1: {  	(tag) =	ssettag $0x0;
	lr =	simm.s32 $0x1  }
0x2: {  	[smem:$0x3F9B] =	sst lr;
	_ =	strace $0xD0000000  }
0x3: {  	_ = 	snop  }
0x4: {  	_ = 	snop  }
0x5: {  	_ = 	snop  }
0x6: {  	_ = 	snop  }
0x7: {  	_ = 	snop  }
__scs_overlays_trampoline_lowered:
0x8: {  	[smem:$0x3FAA] =	sst s0  }
0x9: {  	[smem:$0x3FAB] =	sst s1  }
0xa: {  	[smem:$0x3FAC] =	sst s2  }
0xb: {  	[smem:$0x3FAD] =	sst s3  }
0xc: {  	[smem:$0x3FAE] =	sst s4  }
0xd: {  	[smem:$0x3FAF] =	sst s5  }
0xe: {  	[smem:$0x3FB0] =	sst s6  }
0xf: {  	[smem:$0x3FB1] =	sst s7  }
0x10: {  	[smem:$0x3FB2] =	sst s8  }
0x11: {  	[smem:$0x3FB3] =	sst s9;
	s0 =	simm.s32 @!p0 $0x0  }
0x12: {  	s1 =	sld [smem:$0x3F99];
	s0 =	simm.s32 @p0 $0x1  }
0x13: {  	[smem:$0x3FB4] =	sst s0;
	s0 =	simm.s32 @!p1 $0x0  }
0x14: {  	s2 =	sld [smem:$0x3F98];
	s0 =	simm.s32 @p1 $0x1  }
0x15: {  	[smem:$0x3FB5] =	sst s0;
	s0 =	simm.s32 @!p2 $0x0  }
0x16: {  	s3 =	sld [smem:$0x3FDB];
	s0 =	simm.s32 @p2 $0x1  }
0x17: {  	s4 =	simm.s32 $0x1BF5;
	[smem:$0x3FB7] =	sst s0  }
0x18: {  	s0 =	sld [smem:$0x3F9A];
	_ =	swait.ge [sflag:s4], $0x0  }
0x19: {  	s7 =	sld [smem:$0x3F9B]  }
0x1a: {  	s8 =	sadd.s32 $0xFFFFE003, lr  }
0x1b: {  	s9 =	sadd.s32 $0xFFFFFEF7, lr;
	s5 =	simm.s32 $0xFFFFFFFF;
	p2 =	slt.u32 s8, $0xFFFFF086  }
0x1c: {  	p1 =	slt.u32 s9, $0xF7A;
	s5 =	simm.s32 @!p2 $0x0  }
0x1d: {  	s5 =	simm.s32 @p1 $0x1;
	p0 =	seq.s32 s7, s2  }
0x1e: {  	s7 =	smul.u32 @!p0 $0xF7A, s2;
	p2 =	seq.s32 @!p0 s5, $0x0  }
0x1f: {  	s9 =	smul.u32 $0xF7A, s1;
	s8 =	simm.s32 @!p0 $0x1BF5;
	p2 =	por !p2, p0  }
0x20: {  	[sflag:s8] =	ssyncset.s32 @!p0 $0xFFFFF086;
	s6 =	sadd.s32 @!p0 s3, s7;
	s7 =	simm.s32 @!p0 $0x108  }
0x21: {  	s3 =	sadd.s32 s3, s9;
	s6 =	sadd.s32 @!p0 $0x88, s6;
	s7 =	simm.s32 @p2 $0x1082  }
0x22: {  	[simem:s7], [sflag:s8] =	dma.local @!p0 [hbm:s6], $0xF7A  }
0x23: {  	s9 =	sor.u32 $0xD0000000, s2;
	s6 =	simm.s32 $0x108;
	_ =	swait.ge @!p0 [sflag:s8], $0x0  }
0x24: {  	s3 =	sadd.s32 $0x88, s3;
	s6 =	simm.s32 @!p1 $0x1082;
	[sflag:s4] =	ssyncset.s32 $0xFFFFF086  }
0x25: {  	[simem:s6], [sflag:s4] =	dma.local [hbm:s3], $0xF7A  }
0x26: {  	[smem:$0x3F9B] =	sst s1;
	(tag) =	ssettag s2;
	_ =	strace s9  }
0x27: {  	s1 =	sld [smem:$0x3FAB]  }
0x28: {  	s2 =	sld [smem:$0x3FAC]  }
0x29: {  	s4 =	sld [smem:$0x3FAE]  }
0x2a: {  	p0 =	seq.s32 s5, $0x0;
	s5 =	sld [smem:$0x3FAF]  }
0x2b: {  	s6 =	sld [smem:$0x3FB0]  }
0x2c: {  	s7 =	sld [smem:$0x3FB1]  }
0x2d: {  	s3 =	simm.s32 $0x108;
	s8 =	sld [smem:$0x3FB2]  }
0x2e: {  	s3 =	simm.s32 @!p0 $0x1082;
	s9 =	sld [smem:$0x3FB3]  }
0x2f: {  	lr =	sadd.s32 s0, s3;
	s0 =	sld [smem:$0x3FAA]  }
0x30: {  	s3 =	sld [smem:$0x3FAD]  }
0x31: {  	[smem:$0x3FB6] =	sst s10  }
0x32: {  	s10 =	sld [smem:$0x3FB4];
	_ =	sdelay $0x3  }
0x33: {  	p0 =	seq.s32 s10, $0x1;
	s10 =	sld [smem:$0x3FB6];
	_ =	sdelay $0x3  }
0x34: {  	[smem:$0x3FB6] =	sst s10  }
0x35: {  	s10 =	sld [smem:$0x3FB5];
	_ =	sdelay $0x3  }
0x36: {  	p1 =	seq.s32 s10, $0x1;
	s10 =	sld [smem:$0x3FB6];
	_ =	sdelay $0x3  }
0x37: {  	[smem:$0x3FB6] =	sst s10  }
0x38: {  	s10 =	sld [smem:$0x3FB7]  }
0x39: {  	_ = 	snop;
	(pc) =	sbr.ind lr, $3  }
0x3a: {  	_ = 	snop  }
0x3b: {  	_ = 	snop  }
0x3c: {  	p2 =	seq.s32 s10, $0x1;
	s10 =	sld [smem:$0x3FB6]  }
0x3d: {  	_ =	shalt  }
0x3e: {  	_ =	shalt  }
0x3f: {  	_ =	shalt  }
0x40: {  	_ =	shalt  }
0x41: {  	_ =	shalt  }
0x42: {  	_ =	shalt  }
0x43: {  	_ =	shalt  }
0x44: {  	_ =	shalt  }
0x45: {  	_ =	shalt  }
0x46: {  	_ =	shalt  }
0x47: {  	_ =	shalt  }
0x48: {  	_ =	shalt  }
0x49: {  	_ =	shalt  }
0x4a: {  	_ =	shalt  }
0x4b: {  	_ =	shalt  }
0x4c: {  	_ =	shalt  }
0x4d: {  	_ =	shalt  }
0x4e: {  	_ =	shalt  }
0x4f: {  	_ =	shalt  }
0x50: {  	_ =	shalt  }
0x51: {  	_ =	shalt  }
0x52: {  	_ =	shalt  }
0x53: {  	_ =	shalt  }
0x54: {  	_ =	shalt  }
0x55: {  	_ =	shalt  }
0x56: {  	_ =	shalt  }
0x57: {  	_ =	shalt  }
0x58: {  	_ =	shalt  }
0x59: {  	_ =	shalt  }
0x5a: {  	_ =	shalt  }
0x5b: {  	_ =	shalt  }
0x5c: {  	_ =	shalt  }
0x5d: {  	_ =	shalt  }
0x5e: {  	_ =	shalt  }
0x5f: {  	_ =	shalt  }
0x60: {  	_ =	shalt  }
0x61: {  	_ =	shalt  }
0x62: {  	_ =	shalt  }
0x63: {  	_ =	shalt  }
0x64: {  	_ =	shalt  }
0x65: {  	_ =	shalt  }
0x66: {  	_ =	shalt  }
0x67: {  	_ =	shalt  }
0x68: {  	_ =	shalt  }
0x69: {  	_ =	shalt  }
0x6a: {  	_ =	shalt  }
0x6b: {  	_ =	shalt  }
0x6c: {  	_ =	shalt  }
0x6d: {  	_ =	shalt  }
0x6e: {  	_ =	shalt  }
0x6f: {  	_ =	shalt  }
0x70: {  	_ =	shalt  }
0x71: {  	_ =	shalt  }
0x72: {  	_ =	shalt  }
0x73: {  	_ =	shalt  }
0x74: {  	_ =	shalt  }
0x75: {  	_ =	shalt  }
0x76: {  	_ =	shalt  }
0x77: {  	_ =	shalt  }
0x78: {  	_ =	shalt  }
0x79: {  	_ =	shalt  }
0x7a: {  	_ =	shalt  }
0x7b: {  	_ =	shalt  }
0x7c: {  	_ =	shalt  }
0x7d: {  	_ =	shalt  }
0x7e: {  	_ =	shalt  }
0x7f: {  	_ =	shalt  }
0x80: {  	_ =	shalt  }
0x81: {  	_ =	shalt  }
0x82: {  	_ =	shalt  }
0x83: {  	_ =	shalt  }
0x84: {  	_ =	shalt  }
0x85: {  	_ =	shalt  }
0x86: {  	_ =	shalt  }
0x87: {  	_ =	shalt  }
.Lfunc_end0:
.L_simem_size_0:
called_computation_lowered:
.L_overlay_start_0:
0x88: {  	s2 =	sld [smem:$0x3FD9]  }
0x89: {  	s3 =	sld [smem:$0x3FFE];
	_ =	sdelay $0x1  }
0x8a: {  	s1 =	srdreg.scid  }
0x8b: {  	s0 =	sand.u32 $0x1, s1  }
0x8c: {  	s17 =	sshll.u32 s0, $0xA;
	s2 =	sadd.s32 s3, s2  }
0x8d: {  	s2 =	sadd.s32 s2, s17  }
0x8e: {  	[smem:$0x3FC2] =	sst s2  }
0x8f: {  	_ = 	snop  }
0x90: {  	s2 =	sld [smem:$0x3FD0];
	(tm) =	ssettm $0x1  }
0x91: {  	s18 =	sld [smem:$0x3FFB];
	_ =	sdelay $0x3  }
0x92: {  	_ =	strace s18  }
0x93: {  	s3 =	sld [smem:$0x3FFC];
	_ =	sdelay $0x3  }
0x94: {  	_ =	strace s3  }
0x95: {  	s3 =	sld [smem:$0x3FFD];
	_ =	sdelay $0x3  }
0x96: {  	_ =	strace s3  }
0x97: {  	_ =	strace $0x8FFFFFFF  }
0x98: {  	s19 =	sld [smem:$0x3FDB];
	_ =	sdelay $0x1  }
0x99: {  	s4 =	simm.s32 $_scs_section_size  }
0x9a: {  	s5 =	simm.s32 $_size__tile_overlayer_lowered;
	s6 =	simm.s32 $_tile_overlayer_lowered  }
0x9b: {  	s22 =	simm.s32 $0x1BFF;
	s21 =	sshll.u32 s6, $0x1;
	s3 =	sadd.s32 s4, s19  }
0x9c: {  	s7 =	simm.s32 $0x0;
	s20 =	sshll.u32 s5, $0x1;
	s5 =	sadd.s32 s21, s3  }
0x9d: {  	[timem:s7], [sflag:s22] =	dma.local [hbm:s5], s20  }
0x9e: {  	_ =	swait.ge [sflag:s22], s20  }
0x9f: {  	s4 =	ssub.s32 $0x0, s20;
	[sflag:s22] =	ssyncset.done $0x0  }
0xa0: {  	[sflag:s22] =	ssyncadd.s32 s4;
	_ =	sdelay $0x1  }
0xa1: {  	s23 =	simm.s32 $0x1B8B  }
0xa2: {  	_ =	swait.ge [sflag:s23], $0x1  }
0xa3: {  	[sflag:s23] =	ssyncset.done $0x0  }
0xa4: {  	s25 =	simm.s32 $0x1B8E;
	s24 =	sld [smem:$0x3FFE];
	[sflag:s23] =	ssyncadd.s32 $0xFFFFFFFF  }
0xa5: {  	s26 =	simm.s32 $execute0_lowered;
	[smem:$0x3FD2] =	sst s25  }
0xa6: {  	s5 =	sshll.u32 s26, $0x1;
	_ =	strace $0x80000046;
	[dreg:$0x1] =	wrdreg $0xFFFFFFFF  }
0xa7: {  	s28 =	simm.s32 $_size_execute0_lowered;
	s3 =	sadd.s32 s3, s5;
	[dreg:$0x0] =	wrdreg $0x0  }
0xa8: {  	s5 =	sshll.u32 s28, $0x1;
	[dreg:$0x2] =	wrdreg s3  }
0xa9: {  	[dreg:$0x3] =	wrdreg s5  }
0xaa: {  	[dreg:$0x4] =	wrdreg $0xC0  }
0xab: {  	_ =	task [dreg:s7], $0x5FFFF  }
0xac: {  	[dreg:$0x1] =	wrdreg $0xFFFFFFFF  }
0xad: {  	[dreg:$0x0] =	wrdreg $0x60  }
0xae: {  	[dreg:$0x2] =	wrdreg s24  }
0xaf: {  	[dreg:$0x3] =	wrdreg s2  }
0xb0: {  	[dreg:$0x4] =	wrdreg $0x4C000  }
0xb1: {  	[dreg:$0x5] =	wrdreg $0x4F000  }
0xb2: {  	[dreg:$0x6] =	wrdreg $0x9  }
0xb3: {  	_ =	task.clear_ibuf [dreg:s7], $0x7FFFF;
	_ =	strace $0x90000046  }
0xb4: {  	s29 =	simm.s32 $0x9;
	_ =	strace $0x80000048  }
0xb5: {  	_ =	swait.ge [sflag:s29], $0x1  }
0xb6: {  	[sflag:s29] =	ssyncadd.s32 $0xFFFFFFFF  }
0xb7: {  	_ =	strace $0x90000048  }
0xb8: {  	_ =	sfence  }
0xb9: {  	s30 =	sld [smem:$0x0];
	_ =	sdelay $0x2  }
0xba: {  	s31 =	sshll.u32 s1, $0xD;
	s1 =	sshrl.u32 s1, $0x2  }
0xbb: {  	s3 =	sand.u32 $0x4000, s31;
	s1 =	sadd.s32 s1, s30  }
0xbc: {  	s0 =	sor.u32 s3, s0;
	s1 =	sshll.u32 s1, $0x11  }
0xbd: {  	s0 =	sor.u32 s1, s0  }
0xbe: {  	s0 =	sadd.s32 $0x8F2B, s0  }
0xbf: {  	[sflag:s0] =	ssyncadd.remote.s32 $0x1  }
0xc0: {  	_ =	sfence.sel $0xFFFF  }
0xc1: {  	[dreg:$0x0] =	wrdreg $0xFFFFFFFF;
	(pc) =	sbr.abs _section_cstart, $3  }
0xc2: {  	[dreg:$0x1] =	wrdreg $0xFFFFFFFF  }
0xc3: {  	_ =	task.clear_ibuf [dreg:s7], $0x2FFFF;
	_ =	strace $0x9FFFFFFF  }
0xc4: {  	(tm) =	ssettm $0x7FFFFFFF  }
0xc5: {  	_ =	shalt  }
tec
execute0_lowered:
.L_overlay_start_1:
0x0: {  	(tag) =	ssettag $0x1  }
0x1: {  	s5 =	rddreg [dreg:$0x0]  }
0x2: {  	s11 =	rddreg [dreg:$0x1]  }
0x3: {  	s1 =	rddreg [dreg:$0x2]  }
0x4: {  	s3 =	rddreg [dreg:$0x3]  }
0x5: {  	s0 =	rddreg [dreg:$0x4]  }
0x6: {  	s4 =	simm.s32 $0x0;
	s2 =	stileid.u32;
	s6 =	srdreg.scid  }
0x7: {  	s19 =	simm.s32 $0x3000;
	s20 =	simm.s32 $0x4800;
	s21 =	simm.s32 $0x2  }
0x8: {  	s22 =	simm.s32 $0x0;
	[smem:$0x7FF] =	sst s4;
	s7 =	smul.u32 $0x300, s2  }
0x9: {  	s6 =	sand.u32 $0x1, s6;
	s8 =	sshll.u32 s2, $0x1;
	s13 =	sadd.s32 $0x3000, s5  }
0xa: {  	s29 =	sshll.u32 s2, $0x6;
	s30 =	sshll.u32 s2, $0x8;
	s14 =	sshll.u32 s2, $0x5  }
0xb: {  	p0 =	sgt.u32 s2, $0x3;
	_ =	strace $0x80000047;
	s10 =	sor.u32 s6, s8  }
0xc: {  	s6 =	ssub.s32 $0x2, s6;
	s16 =	sadd.s32 s30, s3;
	s17 =	sor.u32 $0x1000, s30  }
0xd: {  	s28 =	sshrl.u32 s7, $0x3;
	s9 =	sshll.u32 s10, $0x6;
	s12 =	sshrl.u32 s6, $0x1  }
0xe: {  	s15 =	sadd.s32 s7, s1;
	s31 =	sshrl.u32 s17, $0x3;
	s18 =	sshll.u32 s10, $0x7  }
0xf: {  	s17 =	sadd.s32 s17, s3;
	s16 =	sshrl.u32 s16, $0x3;
	s8 =	sadd.s32 s28, s5  }
0x10: {  	s9 =	sadd.s32 s9, s5;
	s12 =	ssub.s32 s6, s12;
	s10 =	sadd.s32 s13, s31  }
0x11: {  	s11 =	sadd.s32 s11, s18;
	s15 =	sshrl.u32 s15, $0x3;
	s17 =	sshrl.u32 @!p0 s17, $0x3  }
0x12: {  	s18 =	simm.s32 $0x1;
	s5 =	sadd.s32 $0x1A00, s9;
	s6 =	sadd.s32 $0x2200, s9  }
0x13: {  	s7 =	sadd.s32 $0x2A00, s8;
	s8 =	sor.u32 $0x1C01, s29;
	s9 =	sadd.s32 s13, s14  }
0x14: {  	s12 =	smax.u32 s12, $0x1;
	s13 =	simm.s32 $0x4400;
	s14 =	simm.s32 $0x4600  }
.LBB2_1:
0x15: {  	[tilespmem:s13], [sflag:$0x1] =	stream.linear.gather [hbm4b:s5+s4], $0x200, $0x38;
	[tilespmem:$0x5040] =	vst v63  }
0x16: {  	s23 =	simm.s32 @!p0 $0x1  }
0x17: {  	[tilespmem:s14], [sflag:$0x1] =	stream.linear.gather [hbm4b:s6+s4], $0x200, $0x38;
	[tilespmem:$0x5040] =	vst v63  }
0x18: {  	[spmem:s15], [sflag:s8] =	dma.local [hbm:s7], $0x60  }
0x19: {  	[spmem:s16], [sflag:s8] =	dma.local [hbm:s9], $0x20  }
0x1a: {  	[spmem:s17], [sflag:s8] =	dma.local @!p0 [hbm:s10], $0x20  }
0x1b: {  	_ =	swait.ge @!p0 [sflag:s23], $0x20  }
0x1c: {  	[sflag:s23] =	ssyncset.done @!p0 $0x0  }
0x1d: {  	[sflag:s23] =	ssyncadd.s32 @!p0 $0xFFFFFFE0  }
0x1e: {  	_ =	swait.ge [sflag:s18], $0x200  }
0x1f: {  	[sflag:s18] =	ssyncset.done $0x0  }
0x20: {  	[sflag:s18] =	ssyncadd.s32 $0xFFFFFE00  }
0x21: {  	_ =	swait.ge [sflag:s18], $0x200  }
0x22: {  	[sflag:s18] =	ssyncset.done $0x0  }
0x23: {  	[sflag:s18] =	ssyncadd.s32 $0xFFFFFE00  }
0x24: {  	_ =	swait.ge [sflag:s18], $0x60  }
0x25: {  	[sflag:s18] =	ssyncset.done $0x0  }
0x26: {  	[sflag:s18] =	ssyncadd.s32 $0xFFFFFFA0  }
0x27: {  	_ =	swait.ge [sflag:s18], $0x20  }
0x28: {  	[sflag:s18] =	ssyncset.done $0x0  }
0x29: {  	[sflag:s18] =	ssyncadd.s32 $0xFFFFFFE0  }
0x2a: {  	[bflag:$0x0] =	sbarrier.arrive $0xFFFF  }
0x2b: {  	[tilespmem:s4], [sflag:$0x1] =	stream.linear.gather [spmem:s1], $0x3000, $0x38;
	[tilespmem:$0x5040] =	vst v63  }
0x2c: {  	_ = 	snop  }
0x2d: {  	[tilespmem:s19], [sflag:$0x1] =	stream.linear.gather [spmem:s3], $0x1400, $0x38;
	[tilespmem:$0x5040] =	vst v63  }
0x2e: {  	_ =	swait.ge [sflag:s18], $0x3000  }
0x2f: {  	[sflag:s18] =	ssyncset.done $0x0  }
0x30: {  	[sflag:s18] =	ssyncadd.s32 $0xFFFFD000  }
0x31: {  	_ =	swait.ge [sflag:s18], $0x1400  }
0x32: {  	[sflag:s18] =	ssyncset.done $0x0  }
0x33: {  	s30 =	simm.s32 $0x4440;
	[sflag:s18] =	ssyncadd.s32 $0xFFFFEC00  }
0x34: {  	s24 =	simm.s32 $0x4640;
	v0 =	vld [tilespmem:s30+$0x30]  }
0x35: {  	v1 =	vld [tilespmem:s24+$0x30]  }
0x36: {  	v2 =	vld [tilespmem:s24+$0xFFFFFFC0]  }
0x37: {  	v3 =	vld [tilespmem:s30+$0xFFFFFFD0]  }
0x38: {  	v4 =	vld [tilespmem:s24+$0xFFFFFFD0]  }
0x39: {  	v5 =	vld [tilespmem:s30+$0xFFFFFFE0]  }
0x3a: {  	v6 =	vld [tilespmem:s24+$0xFFFFFFE0]  }
0x3b: {  	v7 =	vld [tilespmem:s30+$0xFFFFFFF0]  }
0x3c: {  	v8 =	vld [tilespmem:s24+$0xFFFFFFF0]  }
0x3d: {  	v0 =	vld.idx.msk [tilespmem:v0+s4+$0x0], $0xffff  }
0x3e: {  	v1 =	vld.idx.msk [tilespmem:v1+s19+$0x0], $0xffff  }
0x3f: {  	v9 =	vld [tilespmem:s30+$0x0]  }
0x40: {  	v10 =	vld [tilespmem:s24+$0x0]  }
0x41: {  	v11 =	vld [tilespmem:s30+$0x10]  }
0x42: {  	v12 =	vld [tilespmem:s24+$0x10]  }
0x43: {  	v13 =	vld [tilespmem:s30+$0x20];
	v0 =	vadd.f32 v1, v0  }
0x44: {  	v14 =	vld [tilespmem:s30+$0xFFFFFFC0]  }
0x45: {  	v2 =	vld.idx.msk [tilespmem:v2+s19+$0x0], $0xffff;
	v0 =	vsub.f32 $0.0e+00, v0  }
0x46: {  	v3 =	vld.idx.msk [tilespmem:v3+s4+$0x0], $0xffff  }
0x47: {  	v4 =	vld.idx.msk [tilespmem:v4+s19+$0x0], $0xffff;
	v0 =	vmul.f32 $1.442695020e+00, v0  }
0x48: {  	v5 =	vld.idx.msk [tilespmem:v5+s4+$0x0], $0xffff  }
0x49: {  	v1 =	vld [tilespmem:s24+$0x20];
	(erf) = vpow2.f32 v0  }
0x4a: {  	v0 =	vld.idx.msk [tilespmem:v6+s19+$0x0], $0xffff  }
0x4b: {  	v6 =	vld.idx.msk [tilespmem:v7+s4+$0x0], $0xffff  }
0x4c: {  	v7 =	vld.idx.msk [tilespmem:v8+s19+$0x0], $0xffff  }
0x4d: {  	v8 =	vld.idx.msk [tilespmem:v14+s4+$0x0], $0xffff  }
0x4e: {  	v3 =	vadd.f32 v4, v3;
	v4 =	vld.idx.msk [tilespmem:v9+s4+$0x0], $0xffff  }
0x4f: {  	v9 =	vld.idx.msk [tilespmem:v10+s19+$0x0], $0xffff  }
0x50: {  	v10 =	vld.idx.msk [tilespmem:v12+s19+$0x0], $0xffff;
	v3 =	vsub.f32 $0.0e+00, v3;
	v0 =	vadd.f32 v0, v5  }
0x51: {  	v1 =	vld.idx.msk [tilespmem:v1+s19+$0x0], $0xffff;
	v6 =	vadd.f32 v7, v6  }
0x52: {  	v3 =	vmul.f32 $1.442695020e+00, v3;
	v5 =	vld.idx.msk [tilespmem:v11+s4+$0x0], $0xffff;
	v2 =	vadd.f32 v2, v8;
	v0 =	vsub.f32 $0.0e+00, v0;
	v11 =	vpop (erf)  }
0x53: {  	s23 =	simm.s32 $0x46C0;
	v7 =	vld.idx.msk [tilespmem:v13+s4+$0x0], $0xffff;
	v6 =	vsub.f32 $0.0e+00, v6;
	v8 =	vadd.f32 $1.000000000e+00, v11  }
0x54: {  	s31 =	simm.s32 $0x44C0;
	v0 =	vmul.f32 $1.442695020e+00, v0;
	(erf) = vpow2.f32 v3;
	v3 =	vld [tilespmem:s23+$0x30]  }
0x55: {  	v6 =	vmul.f32 $1.442695020e+00, v6;
	v11 =	vld [tilespmem:s31+$0x30];
	(erf) = vrcp.f32 v8  }
0x56: {  	v4 =	vadd.f32 v9, v4;
	v2 =	vsub.f32 $0.0e+00, v2;
	(erf) = vpow2.f32 v0  }
0x57: {  	(erf) = vpow2.f32 v6  }
0x58: {  	v4 =	vsub.f32 $0.0e+00, v4;
	v2 =	vmul.f32 $1.442695020e+00, v2  }
0x59: {  	v5 =	vadd.f32 v10, v5  }
0x5a: {  	v4 =	vmul.f32 $1.442695020e+00, v4;
	v1 =	vadd.f32 v1, v7;
	(erf) = vpow2.f32 v2  }
0x5b: {  	v9 =	vld [tilespmem:s23+$0xFFFFFFD0];
	v5 =	vsub.f32 $0.0e+00, v5  }
0x5c: {  	v1 =	vsub.f32 $0.0e+00, v1;
	(erf) = vpow2.f32 v4;
	v3 =	vld.idx.msk [tilespmem:v3+s19+$0x0], $0xffff  }
0x5d: {  	v4 =	vmul.f32 $1.442695020e+00, v5;
	v5 =	vld.idx.msk [tilespmem:v11+s4+$0x0], $0xffff;
	v10 =	vpop (erf)  }
0x5e: {  	v0 =	vld [tilespmem:s31+$0xFFFFFFD0];
	v1 =	vmul.f32 $1.442695020e+00, v1;
	v11 =	vpop (erf)  }
0x5f: {  	(erf) = vpow2.f32 v4;
	v10 =	vadd.f32 $1.000000000e+00, v10;
	v13 =	vpop (erf)  }
0x60: {  	v15 =	vld [tilespmem:s23+$0x10];
	(erf) = vpow2.f32 v1;
	v13 =	vadd.f32 $1.000000000e+00, v13;
	v14 =	vpop (erf)  }
0x61: {  	v12 =	vld [tilespmem:s31+$0x0];
	(erf) = vrcp.f32 v10;
	v14 =	vadd.f32 $1.000000000e+00, v14  }
0x62: {  	v2 =	vld [tilespmem:s31+$0xFFFFFFF0];
	v3 =	vadd.f32 v3, v5;
	(erf) = vrcp.f32 v13  }
0x63: {  	v6 =	vld [tilespmem:s31+$0xFFFFFFE0];
	v5 =	vpop (erf);
	(erf) = vrcp.f32 v14  }
0x64: {  	v7 =	vld [tilespmem:s23+$0xFFFFFFE0];
	v3 =	vsub.f32 $0.0e+00, v3  }
0x65: {  	v9 =	vld.idx.msk [tilespmem:v9+s19+$0x0], $0xffff;
	v5 =	vadd.f32 $1.000000000e+00, v5;
	v14 =	vpop (erf)  }
0x66: {  	v0 =	vld.idx.msk [tilespmem:v0+s4+$0x0], $0xffff;
	v3 =	vmul.f32 $1.442695020e+00, v3;
	v14 =	vadd.f32 $1.000000000e+00, v14  }
0x67: {  	v17 =	vld [tilespmem:s31+$0xFFFFFFC0];
	(erf) = vrcp.f32 v5  }
0x68: {  	s24 =	simm.s32 $0x4880;
	v8 =	vld [tilespmem:s23+$0xFFFFFFC0];
	v5 =	vsub.f32 $1.000000000e+00, v11;
	v18 =	vpop (erf);
	(erf) = vrcp.f32 v14  }
0x69: {  	v4 =	vld [tilespmem:s23+$0xFFFFFFF0];
	[tilespmem:s24+$0xFFFFFFF0] =	vst v11;
	v61 =	vpop (erf)  }
0x6a: {  	v11 =	vld.idx.msk [tilespmem:v2+s4+$0x0], $0xffff;
	[tilespmem:s24+$0x70] =	vst v5;
	(erf) = vpow2.f32 v3;
	v3 =	vpop (erf)  }
0x6b: {  	v9 =	vadd.f32 v9, v0;
	v5 =	vld.idx.msk [tilespmem:v6+s4+$0x0], $0xffff;
	[tilespmem:s24+$0xFFFFFF90] =	vst v3;
	v2 =	vpop (erf)  }
0x6c: {  	v6 =	vld.idx.msk [tilespmem:v7+s19+$0x0], $0xffff;
	v7 =	vsub.f32 $1.000000000e+00, v3;
	v3 =	vsub.f32 $1.000000000e+00, v2;
	[tilespmem:s24+$0xFFFFFFA0] =	vst v2;
	v2 =	vpop (erf)  }
0x6d: {  	v0 =	vld.idx.msk [tilespmem:v12+s4+$0x0], $0xffff;
	v14 =	vadd.f32 $1.000000000e+00, v18;
	v12 =	vsub.f32 $1.000000000e+00, v2  }
0x6e: {  	v1 =	vld [tilespmem:s23+$0x0]  }
0x6f: {  	v10 =	vld [tilespmem:s31+$0x10];
	(erf) = vrcp.f32 v14;
	v14 =	vadd.f32 $1.000000000e+00, v61  }
0x70: {  	v13 =	vld [tilespmem:s31+$0x20];
	v62 =	vpop (erf)  }
0x71: {  	v16 =	vld [tilespmem:s23+$0x20];
	[tilespmem:s24+$0x30] =	vst v12;
	v12 =	vpop (erf);
	(erf) = vrcp.f32 v14  }
0x72: {  	v8 =	vld.idx.msk [tilespmem:v8+s19+$0x0], $0xffff  }
0x73: {  	v4 =	vld.idx.msk [tilespmem:v4+s19+$0x0], $0xffff  }
0x74: {  	[tilespmem:s24+$0x10] =	vst v7;
	v7 =	vld.idx.msk [tilespmem:v17+s4+$0x0], $0xffff;
	v6 =	vadd.f32 v6, v5  }
0x75: {  	[tilespmem:s24+$0xFFFFFFB0] =	vst v2;
	v2 =	vld.idx.msk [tilespmem:v15+s19+$0x0], $0xffff  }
0x76: {  	v63 =	vsub.f32 $0.0e+00, v9;
	[tilespmem:s24+$0x20] =	vst v3;
	v3 =	vld.idx.msk [tilespmem:v1+s19+$0x0], $0xffff;
	v15 =	vsub.f32 $1.000000000e+00, v62  }
0x77: {  	v1 =	vld.idx.msk [tilespmem:v10+s4+$0x0], $0xffff;
	v9 =	vsub.f32 $0.0e+00, v6;
	[tilespmem:s24+$0xFFFFFF80] =	vst v62  }
0x78: {  	v10 =	vadd.f32 v4, v11;
	v4 =	vld.idx.msk [tilespmem:v13+s4+$0x0], $0xffff;
	v11 =	vmul.f32 $1.442695020e+00, v63;
	[tilespmem:s24+$0x0] =	vst v15;
	v5 =	vsub.f32 $1.000000000e+00, v12;
	v6 =	vpop (erf)  }
0x79: {  	s25 =	simm.s32 $0x8;
	s26 =	simm.s32 $0x4540;
	v8 =	vadd.f32 v8, v7;
	v7 =	vld.idx.msk [tilespmem:v16+s19+$0x0], $0xffff;
	[tilespmem:s24+$0xFFFFFFC0] =	vst v12;
	v12 =	vadd.f32 $1.000000000e+00, v6;
	v6 =	vpop (erf)  }
.LBB2_2:
0x7a: {  	v13 =	vld [tilespmem:s26+$0x30];
	v9 =	vmul.f32 $1.442695020e+00, v9;
	v10 =	vsub.f32 $0.0e+00, v10;
	s23 =	sadd.s32 $0x80, s23;
	(erf) = vpow2.f32 v11;
	[tilespmem:s24+$0x40] =	vst v5;
	v5 =	vpop (erf)  }
0x7b: {  	s25 =	sadd.s32 $0x8, s25;
	v0 =	vadd.f32 v3, v0;
	v11 =	vld [tilespmem:s23+$0x30];
	v8 =	vsub.f32 $0.0e+00, v8;
	(erf) = vrcp.f32 v12;
	[tilespmem:s24+$0xFFFFFFD0] =	vst v6  }
0x7c: {  	p1 =	slt.u32 s25, $0x18;
	v6 =	vsub.f32 $1.000000000e+00, v6;
	v3 =	vld [tilespmem:s23+$0xFFFFFFC0];
	v10 =	vmul.f32 $1.442695020e+00, v10;
	(erf) = vpow2.f32 v9;
	[tilespmem:s24+$0xFFFFFFE0] =	vst v5  }
0x7d: {  	v0 =	vsub.f32 $0.0e+00, v0;
	v1 =	vadd.f32 v2, v1;
	v9 =	vld [tilespmem:s26+$0xFFFFFFD0];
	v8 =	vmul.f32 $1.442695020e+00, v8  }
0x7e: {  	v5 =	vsub.f32 $1.000000000e+00, v5;
	v2 =	vld [tilespmem:s23+$0xFFFFFFD0];
	(erf) = vpow2.f32 v10;
	[tilespmem:s24+$0x50] =	vst v6  }
0x7f: {  	v0 =	vmul.f32 $1.442695020e+00, v0;
	v1 =	vsub.f32 $0.0e+00, v1;
	v4 =	vadd.f32 v7, v4;
	v6 =	vld [tilespmem:s26+$0xFFFFFFE0]  }
0x80: {  	v7 =	vld [tilespmem:s23+$0xFFFFFFE0];
	(erf) = vpow2.f32 v8;
	[tilespmem:s24+$0x60] =	vst v5  }
0x81: {  	v1 =	vmul.f32 $1.442695020e+00, v1;
	v4 =	vsub.f32 $0.0e+00, v4;
	v5 =	vld [tilespmem:s26+$0xFFFFFFF0];
	(erf) = vpow2.f32 v0  }
0x82: {  	v0 =	vld.idx.msk [tilespmem:v13+s4+$0x0], $0xffff  }
0x83: {  	v4 =	vmul.f32 $1.442695020e+00, v4;
	v8 =	vld.idx.msk [tilespmem:v11+s19+$0x0], $0xffff;
	v10 =	vpop (erf);
	(erf) = vpow2.f32 v1  }
0x84: {  	v1 =	vld [tilespmem:s23+$0xFFFFFFF0];
	v10 =	vadd.f32 $1.000000000e+00, v10;
	v11 =	vpop (erf)  }
0x85: {  	v12 =	vld [tilespmem:s26+$0x0];
	v15 =	vsub.f32 $1.000000000e+00, v11;
	v14 =	vpop (erf);
	(erf) = vpow2.f32 v4  }
0x86: {  	s24 =	sadd.s32 $0x100, s24;
	v4 =	vld [tilespmem:s23+$0x0];
	v14 =	vadd.f32 $1.000000000e+00, v14;
	(erf) = vrcp.f32 v10  }
0x87: {  	v10 =	vld [tilespmem:s26+$0x10];
	[tilespmem:s24+$0x70] =	vst v15;
	v13 =	vpop (erf)  }
0x88: {  	v15 =	vld [tilespmem:s23+$0x10];
	v13 =	vadd.f32 $1.000000000e+00, v13;
	[tilespmem:s24+$0xFFFFFFF0] =	vst v11;
	(erf) = vrcp.f32 v14  }
0x89: {  	v0 =	vadd.f32 v8, v0;
	v14 =	vld [tilespmem:s26+$0x20];
	v8 =	vpop (erf)  }
0x8a: {  	v16 =	vld [tilespmem:s23+$0x20];
	v8 =	vadd.f32 $1.000000000e+00, v8;
	(erf) = vrcp.f32 v13;
	v11 =	vpop (erf)  }
0x8b: {  	v0 =	vsub.f32 $0.0e+00, v0;
	v13 =	vld [tilespmem:s26+$0xFFFFFFC0];
	v11 =	vadd.f32 $1.000000000e+00, v11  }
0x8c: {  	v17 =	vld.idx.msk [tilespmem:v3+s19+$0x0], $0xffff;
	(erf) = vrcp.f32 v8;
	v3 =	vpop (erf)  }
0x8d: {  	v0 =	vmul.f32 $1.442695020e+00, v0;
	v8 =	vld.idx.msk [tilespmem:v9+s4+$0x0], $0xffff;
	v3 =	vadd.f32 $1.000000000e+00, v3;
	(erf) = vrcp.f32 v11  }
0x8e: {  	v2 =	vld.idx.msk [tilespmem:v2+s19+$0x0], $0xffff;
	v9 =	vpop (erf)  }
0x8f: {  	v6 =	vld.idx.msk [tilespmem:v6+s4+$0x0], $0xffff;
	(erf) = vpow2.f32 v0;
	v0 =	vadd.f32 $1.000000000e+00, v9;
	v9 =	vpop (erf)  }
0x90: {  	v7 =	vld.idx.msk [tilespmem:v7+s19+$0x0], $0xffff;
	[tilespmem:s24+$0xFFFFFF90] =	vst v9;
	v9 =	vsub.f32 $1.000000000e+00, v9;
	(erf) = vrcp.f32 v3  }
0x91: {  	v18 =	vld.idx.msk [tilespmem:v5+s4+$0x0], $0xffff;
	v3 =	vpop (erf);
	(erf) = vrcp.f32 v0  }
0x92: {  	v19 =	vld.idx.msk [tilespmem:v1+s19+$0x0], $0xffff;
	[tilespmem:s24+$0x10] =	vst v9;
	v1 =	vsub.f32 $1.000000000e+00, v3  }
0x93: {  	v13 =	vld.idx.msk [tilespmem:v13+s4+$0x0], $0xffff;
	[tilespmem:s24+$0xFFFFFFA0] =	vst v3;
	v5 =	vpop (erf)  }
0x94: {  	v2 =	vadd.f32 v2, v8;
	v0 =	vld.idx.msk [tilespmem:v12+s4+$0x0], $0xffff;
	[tilespmem:s24+$0x20] =	vst v1;
	v8 =	vsub.f32 $1.000000000e+00, v5  }
.Ltmp0:
0x95: {  	v3 =	vld.idx.msk [tilespmem:v4+s19+$0x0], $0xffff;
	[tilespmem:s24+$0xFFFFFFB0] =	vst v5;
	v4 =	vpop (erf);
	(pc) =	sbr.rel @p1 .LBB2_2-.Ltmp0, $4  }
0x96: {  	v9 =	vsub.f32 $0.0e+00, v2;
	v12 =	vadd.f32 v7, v6;
	v1 =	vld.idx.msk [tilespmem:v10+s4+$0x0], $0xffff;
	[tilespmem:s24+$0x30] =	vst v8;
	v7 =	vpop (erf)  }
0x97: {  	v2 =	vld.idx.msk [tilespmem:v15+s19+$0x0], $0xffff;
	[tilespmem:s24+$0xFFFFFF80] =	vst v4;
	v15 =	vsub.f32 $1.000000000e+00, v4;
	v5 =	vsub.f32 $1.000000000e+00, v7  }
0x98: {  	v11 =	vmul.f32 $1.442695020e+00, v9;
	v9 =	vsub.f32 $0.0e+00, v12;
	v10 =	vadd.f32 v19, v18;
	v4 =	vld.idx.msk [tilespmem:v14+s4+$0x0], $0xffff;
	v6 =	vpop (erf);
	[tilespmem:s24+$0xFFFFFFC0] =	vst v7  }
0x99: {  	s26 =	sadd.s32 $0x80, s26;
	v8 =	vadd.f32 v17, v13;
	v7 =	vld.idx.msk [tilespmem:v16+s19+$0x0], $0xffff;
	v12 =	vadd.f32 $1.000000000e+00, v6;
	[tilespmem:s24+$0x0] =	vst v15;
	v6 =	vpop (erf)  }
0x9a: {  	v9 =	vmul.f32 $1.442695020e+00, v9;
	(erf) = vpow2.f32 v11  }
0x9b: {  	v10 =	vsub.f32 $0.0e+00, v10;
	(erf) = vrcp.f32 v12  }
0x9c: {  	v0 =	vadd.f32 v3, v0;
	v8 =	vsub.f32 $0.0e+00, v8;
	(erf) = vpow2.f32 v9  }
0x9d: {  	v34 =	vmul.f32 $1.442695020e+00, v10  }
0x9e: {  	v0 =	vsub.f32 $0.0e+00, v0;
	v1 =	vadd.f32 v2, v1;
	v35 =	vmul.f32 $1.442695020e+00, v8  }
0x9f: {  	(erf) = vpow2.f32 v34;
	v36 =	vadd.f32 v7, v4  }
0xa0: {  	v0 =	vmul.f32 $1.442695020e+00, v0;
	v1 =	vsub.f32 $0.0e+00, v1;
	(erf) = vpow2.f32 v35  }
0xa1: {  	v37 =	vsub.f32 $0.0e+00, v36  }
0xa2: {  	v38 =	vpop (erf);
	v1 =	vmul.f32 $1.442695020e+00, v1;
	(erf) = vpow2.f32 v0  }
0xa3: {  	v39 =	vmul.f32 $1.442695020e+00, v37;
	v40 =	vpop (erf)  }
0xa4: {  	(erf) = vpow2.f32 v1;
	v41 =	vadd.f32 $1.000000000e+00, v40;
	v42 =	vpop (erf)  }
0xa5: {  	(erf) = vpow2.f32 v39;
	v43 =	vpop (erf)  }
0xa6: {  	v44 =	vadd.f32 $1.000000000e+00, v43;
	(erf) = vrcp.f32 v41;
	_ =	sdelay $0x1  }
0xa7: {  	v45 =	vpop (erf);
	(erf) = vrcp.f32 v44  }
0xa8: {  	v1 =	vadd.f32 $1.000000000e+00, v45;
	v46 =	vpop (erf)  }
0xa9: {  	[tilespmem:s24+$0x40] =	vst v5;
	v0 =	vadd.f32 $1.000000000e+00, v46  }
0xaa: {  	[tilespmem:s24+$0xFFFFFFD0] =	vst v6;
	v47 =	vsub.f32 $1.000000000e+00, v6;
	v48 =	vpop (erf);
	(erf) = vrcp.f32 v1  }
0xab: {  	[tilespmem:s24+$0xFFFFFFE0] =	vst v38;
	v3 =	vsub.f32 $1.000000000e+00, v38;
	v4 =	vadd.f32 $1.000000000e+00, v48;
	(erf) = vrcp.f32 v0  }
0xac: {  	[tilespmem:s24+$0x50] =	vst v47;
	v50 =	vpop (erf)  }
0xad: {  	s23 =	sadd.s32 $0x100, s24;
	[tilespmem:s24+$0x60] =	vst v3;
	v49 =	vsub.f32 $1.000000000e+00, v42;
	(erf) = vrcp.f32 v4;
	v51 =	vpop (erf)  }
0xae: {  	[tilespmem:s23+$0xFFFFFFF0] =	vst v42;
	v0 =	vadd.f32 $1.000000000e+00, v50;
	v52 =	vpop (erf)  }
0xaf: {  	[tilespmem:s23+$0x70] =	vst v49;
	v53 =	vadd.f32 $1.000000000e+00, v51;
	v54 =	vsub.f32 $1.000000000e+00, v52  }
0xb0: {  	(erf) = vrcp.f32 v0;
	[tilespmem:s23+$0xFFFFFF90] =	vst v52;
	v55 =	vpop (erf)  }
0xb1: {  	(erf) = vrcp.f32 v53;
	[tilespmem:s23+$0x10] =	vst v54;
	v56 =	vsub.f32 $1.000000000e+00, v55  }
0xb2: {  	[tilespmem:s23+$0xFFFFFFA0] =	vst v55  }
0xb3: {  	v57 =	vpop (erf);
	[tilespmem:s23+$0x20] =	vst v56  }
0xb4: {  	v58 =	vsub.f32 $1.000000000e+00, v57;
	[tilespmem:s23+$0xFFFFFFB0] =	vst v57;
	v59 =	vpop (erf)  }
0xb5: {  	[tilespmem:s23+$0xFFFFFF80] =	vst v59  }
0xb6: {  	v60 =	vpop (erf);
	v0 =	vsub.f32 $1.000000000e+00, v59;
	[tilespmem:s23+$0x30] =	vst v58  }
0xb7: {  	v61 =	vsub.f32 $1.000000000e+00, v60;
	[tilespmem:s23+$0xFFFFFFC0] =	vst v60  }
0xb8: {  	[tilespmem:s23+$0x0] =	vst v0  }
0xb9: {  	v62 =	vpop (erf);
	[tilespmem:s23+$0x40] =	vst v61  }
0xba: {  	v63 =	vpop (erf);
	[tilespmem:s23+$0xFFFFFFD0] =	vst v62;
	v0 =	vsub.f32 $1.000000000e+00, v62  }
0xbb: {  	s22 =	sadd.s32 $0x1, s22;
	[tilespmem:s23+$0xFFFFFFE0] =	vst v63;
	v1 =	vsub.f32 $1.000000000e+00, v63  }
0xbc: {  	p1 =	sne.s32 s22, s12;
	[tilespmem:s23+$0x50] =	vst v0  }
.Ltmp1:
0xbd: {  	[tilespmem:s23+$0x60] =	vst v1;
	(pc) =	sbr.rel @p1 .LBB2_1-.Ltmp1, $4  }
0xbe: {  	[hbm4b:s11+s4] =	stream.linear.scatter [tilespmem:s20], [sflag:$0x2], $0x400, $0x38;
	[tilespmem:$0x5040] =	vst v63  }
0xbf: {  	_ =	swait.ge [sflag:s21], $0x400  }
0xc0: {  	[sflag:s21] =	ssyncset.done $0x0  }
0xc1: {  	[sflag:s21] =	ssyncadd.s32 $0xFFFFFC00  }
0xc2: {  	_ =	sfence.sel $0x180000  }
0xc3: {  	[bflag:$0x0] =	sbarrier.arrive $0xFFFF  }
0xc4: {  	p0 =	sne.s32 s2, $0x0;
	_ =	strace $0x90000047  }
0xc5: {  	s0 =	sadd.s32 @!p0 $0x100000, s0;
	[bflag:$0x2] =	sbarrier.arrive $0xFFFF  }
0xc6: {  	[sflag:s0] =	ssyncadd.tile.s32 @!p0 $0x1;
	_ =	shalt  }
.Lfunc_end2:
_tile_overlayer_lowered:
.L_overlay_start_2:
0xc7: {  	(tag) =	ssettag $0x2  }
0xc8: {  	s0 =	rddreg [dreg:$0x0];
	s2 =	stileid.u32  }
0xc9: {  	s1 =	rddreg [dreg:$0x1];
	p0 =	sne.s32 s2, $0x0  }
0xca: {  	s3 =	rddreg [dreg:$0x2];
	[bflag:$0x3] =	sbarrier.arrive $0xFFFF;
	s2 =	simm.s32 @!p0 $0x1C02  }
0xcb: {  	[timem:s3], [sflag:s2] =	dma.local @!p0 [hbm:s0], s1  }
0xcc: {  	s0 =	simm.s32 @!p0 $0x2  }
0xcd: {  	_ =	swait.ge @!p0 [sflag:s0], s1  }
0xce: {  	s1 =	ssub.s32 @!p0 $0x0, s1;
	[sflag:s0] =	ssyncset.done @!p0 $0x0  }
0xcf: {  	[sflag:s0] =	ssyncadd.s32 @!p0 s1  }
0xd0: {  	[bflag:$0x3] =	sbarrier.arrive $0xFFFF  }
0xd1: {  	_ =	shalt  }

</sc_bundles>
